<compile_context>
chip_gen: v7x
topology: tpu7x:2x2x1
jax: 0.10.2.dev20260603
libtpu: 0.0.44.dev20260713+nightly
codegen_flags: <defaults>
</compile_context>

<pallas_src>
import functools

import jax
import jax.numpy as jnp
from jax import lax
from jax.experimental import pallas as pl
from jax.experimental.pallas import tpu as pltpu
from jax.experimental.pallas import tpu_sc as plsc


def _score_topk_kernel(TN, NC, B, N, D, K,
                       query_ref, w1q_ref, w1k_ref, b1_ref, w2_ref, b2_ref,
                       kb_ref, ts_ref, ti_ref, flat_ref,
                       qproj_scr, scol_scr):
    b = pl.program_id(0)
    j = pl.program_id(1)
    CH = TN // NC

    @pl.when((b == 0) & (j == 0))
    def _():
        qproj_scr[...] = (
            jnp.dot(query_ref[...], w1q_ref[...],
                    preferred_element_type=jnp.float32)
            + b1_ref[...])

    kb16 = kb_ref[0].astype(jnp.bfloat16)
    qrow = qproj_scr[pl.ds(b, 1), :]
    for c in range(NC):
        z = jnp.dot(kb16[c * CH:(c + 1) * CH], w1k_ref[...],
                    preferred_element_type=jnp.float32)
        z = z + qrow
        h = (0.5 * z * (1.0 + lax.erf(z * 0.7071067811865476))
             ).astype(jnp.bfloat16)
        s = jnp.dot(h, w2_ref[...], preferred_element_type=jnp.float32)
        rows = pl.ds(j * TN + c * CH, CH)
        ch_lanes = lax.broadcasted_iota(jnp.int32, (CH, B), 1)
        sbc = jnp.broadcast_to(s + b2_ref[...], (CH, B))
        scol_scr[rows, :] = jnp.where(ch_lanes == b, sbc, scol_scr[rows, :])

    @pl.when((b == B - 1) & (j == N // TN - 1))
    def _():
        lane_iota = lax.broadcasted_iota(jnp.int32, (B, N), 1)
        k_iota = lax.broadcasted_iota(jnp.int32, (B, K), 1)

        def body(i, carry):
            sc, ts, ti = carry
            m = jnp.max(sc, axis=1, keepdims=True)
            idx = jnp.min(jnp.where(sc == m, lane_iota, N),
                          axis=1, keepdims=True)
            ts = jnp.where(k_iota == i, m, ts)
            ti = jnp.where(k_iota == i, idx, ti)
            sc = jnp.where(lane_iota == idx, -jnp.inf, sc)
            return sc, ts, ti

        sc0 = scol_scr[...].T
        _, ts, ti = lax.fori_loop(
            0, K, body,
            (sc0, jnp.zeros((B, K), jnp.float32), jnp.zeros((B, K), jnp.int32)))
        ts_ref[...] = ts
        ti_ref[...] = ti
        flat_ref[...] = ti + lax.broadcasted_iota(jnp.int32, (B, K), 0) * N


def _score_topk(query, kb, w1q, w1k, b1, w2, b2, K, TN=1024, NC=2):
    B, N, D = kb.shape
    grid = (B, N // TN)
    return pl.pallas_call(
        functools.partial(_score_topk_kernel, TN, NC, B, N, D, K),
        grid=grid,
        in_specs=[
            pl.BlockSpec((B, D), lambda b, j: (0, 0)),
            pl.BlockSpec((D, D), lambda b, j: (0, 0)),
            pl.BlockSpec((D, D), lambda b, j: (0, 0)),
            pl.BlockSpec((1, D), lambda b, j: (0, 0)),
            pl.BlockSpec((D, 1), lambda b, j: (0, 0)),
            pl.BlockSpec((1, 1), lambda b, j: (0, 0)),
            pl.BlockSpec((1, TN, D), lambda b, j: (b, j, 0)),
        ],
        out_specs=[
            pl.BlockSpec((B, K), lambda b, j: (0, 0)),
            pl.BlockSpec((B, K), lambda b, j: (0, 0)),
            pl.BlockSpec((B, K), lambda b, j: (0, 0)),
        ],
        out_shape=[
            jax.ShapeDtypeStruct((B, K), jnp.float32),
            jax.ShapeDtypeStruct((B, K), jnp.int32),
            jax.ShapeDtypeStruct((B, K), jnp.int32),
        ],
        scratch_shapes=[
            pltpu.VMEM((B, D), jnp.float32),
            pltpu.VMEM((N, B), jnp.float32),
        ],
        compiler_params=pltpu.CompilerParams(
            dimension_semantics=("arbitrary", "arbitrary")),
    )(query, w1q, w1k, b1, w2, b2, kb)


def _gather_rows(table, flat_idx):
    R, D = flat_idx.shape[0], table.shape[1]
    info = plsc.get_sparse_core_info()
    nw = info.num_cores * info.num_subcores
    bpw = R // nw
    mesh = plsc.VectorSubcoreMesh(core_axis_name="c", subcore_axis_name="s")

    @functools.partial(
        pl.kernel,
        out_type=jax.ShapeDtypeStruct((R, D), jnp.float32),
        mesh=mesh,
        scratch_types=[
            pltpu.VMEM((bpw,), jnp.int32),
            pltpu.VMEM((bpw, D), jnp.float32),
            pltpu.SemaphoreType.DMA,
        ],
    )
    def gk(table_hbm, idx_hbm, out_hbm, idx_v, rows_v, sem):
        wid = lax.axis_index("s") * info.num_cores + lax.axis_index("c")
        base = wid * bpw
        pltpu.sync_copy(idx_hbm.at[pl.ds(base, bpw)], idx_v)
        pltpu.async_copy(table_hbm.at[idx_v], rows_v, sem).wait()
        pltpu.sync_copy(rows_v, out_hbm.at[pl.ds(base, bpw)])

    return gk(table, flat_idx)


def kernel(query, knowledge_base, top_k, W1, b1, W2, b2):
    B, N, D = knowledge_base.shape
    K = min(32, N)
    w1q = W1[:D].astype(jnp.bfloat16)
    w1k = W1[D:].astype(jnp.bfloat16)
    ts, ti, flat = _score_topk(query.astype(jnp.bfloat16), knowledge_base,
                               w1q, w1k, b1.reshape(1, D),
                               W2.astype(jnp.bfloat16), b2.reshape(1, 1), K)
    table = knowledge_base.reshape(B * N, D)
    premises = _gather_rows(table, flat.reshape(B * K)).reshape(B, K, D)
    return premises, ts, ti

# --- scband reference (transcript-rebuilt; emitter-appended) ---
"""Pipeline reference for scband-premise-retriever-6356551598386 (READ-ONLY COPY).

The authoritative reference and input builder live on the scoring server;
editing this copy changes nothing except your own understanding.
"""

import jax, jax.numpy as jnp
import numpy as np

D_MODEL = 1024

def setup_inputs(seed: int = 0) -> dict:
    key = jax.random.key(seed)
    k1, k2, k3, k4, k5, k6 = jax.random.split(key, 6)
    B, N, d = 16, 4096, D_MODEL
    query = jax.random.normal(k1, (B, d), dtype=jnp.float32)
    knowledge_base = jax.random.normal(k2, (B, N, d), dtype=jnp.float32)
    W1 = jax.random.normal(k3, (2 * d, d), dtype=jnp.float32) * 0.02
    b1 = jnp.zeros((d,), dtype=jnp.float32)
    W2 = jax.random.normal(k4, (d, 1), dtype=jnp.float32) * 0.02
    b2 = jnp.zeros((1,), dtype=jnp.float32)
    return {"query": query, "knowledge_base": knowledge_base, "top_k": 32,
            "W1": W1, "b1": b1, "W2": W2, "b2": b2}

def reference(query, knowledge_base, top_k, W1, b1, W2, b2):
    B, N, d = knowledge_base.shape
    k = min(32, N)
    query_expanded = jnp.broadcast_to(query[:, None, :], (B, N, d))
    combined = jnp.concatenate([query_expanded, knowledge_base], axis=-1)
    h = jax.nn.gelu(jnp.einsum('bnf,fo->bno', combined, W1) + b1, approximate=False)
    relevance_scores = (jnp.einsum('bnf,fo->bno', h, W2) + b2)[..., 0]
    relevance_scores = relevance_scores + jnp.asarray(top_k - top_k, dtype=relevance_scores.dtype)
    top_scores, top_indices = jax.lax.top_k(relevance_scores, k)
    retrieved_premises = jnp.take_along_axis(knowledge_base, top_indices[..., None], axis=1)
    return retrieved_premises, top_scores, top_indices

if __name__ == "__main__":
    import jax
    _d = setup_inputs()
    print(jax.jit(kernel)(*tuple(_d.values())))

</pallas_src>

<mosaic_0001>
#map = affine_map<(d0, d1) -> (0, 0)>
#map1 = affine_map<(d0, d1) -> (0)>
module attributes {stable_mosaic.version = 14 : i64} {
  func.func @gk(%arg0: i32, %arg1: i32, %arg2: memref<65536x1024xf32, #tpu.memory_space<hbm>>, %arg3: memref<512xi32, #tpu.memory_space<hbm>>, %arg4: memref<512x1024xf32, #tpu.memory_space<hbm>>, %arg5: memref<16xi32, #tpu.memory_space<vmem>>, %arg6: memref<16x1024xf32, #tpu.memory_space<vmem>>, %arg7: memref<!tpu.dma_semaphore, #tpu.memory_space<semaphore_mem>>) attributes {dimension_semantics = [#tpu.dimension_semantics<core_parallel>, #tpu.dimension_semantics<subcore_parallel>], iteration_bounds = array<i64: 2, 16>, scalar_prefetch = 0 : i64, scratch_operands = 3 : i64, tpu.core_type = #tpu.core_type<sc_vector_subcore>, window_params = [{transform_indices = #map}, {transform_indices = #map1}, {transform_indices = #map}]} {
    %mul3A = arith.constant 2 : i32
    %mul3A_0 = arith.muli %arg1, %mul3A : i32
    %add3A = arith.addi %mul3A_0, %arg0 : i32
    %mul3A_1 = arith.constant 16 : i32
    %mul3A_2 = arith.muli %add3A, %mul3A_1 : i32
    "tpu.region"() ({
      %run_scoped3A = tpu.sem_alloc : memref<!tpu.dma_semaphore, #tpu.memory_space<semaphore_mem>>
      %dma_start3A_7 = tpu.memref_slice %arg3[%mul3A_2] : memref<512xi32, #tpu.memory_space<hbm>> -> memref<16xi32, #tpu.memory_space<hbm>>
      %dma_start3A_8 = tpu.memref_slice %arg3[%mul3A_2] : memref<512xi32, #tpu.memory_space<hbm>> -> memref<16xi32, #tpu.memory_space<hbm>>
      tpu.enqueue_dma source(%dma_start3A_8 : memref<16xi32, #tpu.memory_space<hbm>>) target(%arg5 : memref<16xi32, #tpu.memory_space<vmem>>) target_semaphore(%run_scoped3A : memref<!tpu.dma_semaphore, #tpu.memory_space<semaphore_mem>>)
      %dma_wait3A_9 = tpu.memref_slice %arg3[%mul3A_2] : memref<512xi32, #tpu.memory_space<hbm>> -> memref<16xi32, #tpu.memory_space<hbm>>
      %dma_wait3A_10 = tpu.memref_slice %arg3[%mul3A_2] : memref<512xi32, #tpu.memory_space<hbm>> -> memref<16xi32, #tpu.memory_space<hbm>>
      tpu.wait_dma2 semaphore(%run_scoped3A : memref<!tpu.dma_semaphore, #tpu.memory_space<semaphore_mem>>) src(%dma_wait3A_10 : memref<16xi32, #tpu.memory_space<hbm>>) dst(%arg5 : memref<16xi32, #tpu.memory_space<vmem>>)
      tpu.yield
    }) : () -> ()
    %dma_start3A = arith.constant 0 : i32
    %dma_start3A_3 = arith.constant 0 : i32
    %dma_start3A_4 = tpu.memref_slice %arg2[%dma_start3A, %dma_start3A_3] : memref<65536x1024xf32, #tpu.memory_space<hbm>> -> memref<65536x1024xf32, #tpu.memory_space<hbm>>
    tpu.enqueue_indirect_dma source(%dma_start3A_4 : memref<65536x1024xf32, #tpu.memory_space<hbm>>) target(%arg6 : memref<16x1024xf32, #tpu.memory_space<vmem>>) offsets(%arg5 : memref<16xi32, #tpu.memory_space<vmem>>) semaphore(%arg7 : memref<!tpu.dma_semaphore, #tpu.memory_space<semaphore_mem>>)
    %dma_wait3A = arith.constant 0 : i32
    %dma_wait3A_5 = arith.constant 0 : i32
    %dma_wait3A_6 = tpu.memref_slice %arg2[%dma_wait3A, %dma_wait3A_5] : memref<65536x1024xf32, #tpu.memory_space<hbm>> -> memref<65536x1024xf32, #tpu.memory_space<hbm>>
    tpu.wait_indirect_dma semaphore(%arg7 : memref<!tpu.dma_semaphore, #tpu.memory_space<semaphore_mem>>) src(%dma_wait3A_6 : memref<65536x1024xf32, #tpu.memory_space<hbm>>) dst(%arg6 : memref<16x1024xf32, #tpu.memory_space<vmem>>)
    "tpu.region"() ({
      %run_scoped3A = tpu.sem_alloc : memref<!tpu.dma_semaphore, #tpu.memory_space<semaphore_mem>>
      %dma_start3A_7 = arith.constant 0 : i32
      %dma_start3A_8 = tpu.memref_slice %arg4[%mul3A_2, %dma_start3A_7] : memref<512x1024xf32, #tpu.memory_space<hbm>> -> memref<16x1024xf32, #tpu.memory_space<hbm>>
      %dma_start3A_9 = arith.constant 0 : i32
      %dma_start3A_10 = tpu.memref_slice %arg4[%mul3A_2, %dma_start3A_9] : memref<512x1024xf32, #tpu.memory_space<hbm>> -> memref<16x1024xf32, #tpu.memory_space<hbm>>
      tpu.enqueue_dma source(%arg6 : memref<16x1024xf32, #tpu.memory_space<vmem>>) target(%dma_start3A_10 : memref<16x1024xf32, #tpu.memory_space<hbm>>) target_semaphore(%run_scoped3A : memref<!tpu.dma_semaphore, #tpu.memory_space<semaphore_mem>>)
      %dma_wait3A_11 = arith.constant 0 : i32
      %dma_wait3A_12 = tpu.memref_slice %arg4[%mul3A_2, %dma_wait3A_11] : memref<512x1024xf32, #tpu.memory_space<hbm>> -> memref<16x1024xf32, #tpu.memory_space<hbm>>
      %dma_wait3A_13 = arith.constant 0 : i32
      %dma_wait3A_14 = tpu.memref_slice %arg4[%mul3A_2, %dma_wait3A_13] : memref<512x1024xf32, #tpu.memory_space<hbm>> -> memref<16x1024xf32, #tpu.memory_space<hbm>>
      tpu.wait_dma2 semaphore(%run_scoped3A : memref<!tpu.dma_semaphore, #tpu.memory_space<semaphore_mem>>) src(%arg6 : memref<16x1024xf32, #tpu.memory_space<vmem>>) dst(%dma_wait3A_14 : memref<16x1024xf32, #tpu.memory_space<hbm>>)
      tpu.yield
    }) : () -> ()
    return
  }
}

module attributes {stable_mosaic.version = 14 : i64} {
  func.func @_score_topk_kernel(%arg0: i32, %arg1: i32, %arg2: memref<16x1024xbf16, #tpu.memory_space<vmem>>, %arg3: memref<1024x1024xbf16, #tpu.memory_space<vmem>>, %arg4: memref<1024x1024xbf16, #tpu.memory_space<vmem>>, %arg5: memref<1x1024xf32, #tpu.memory_space<vmem>>, %arg6: memref<1024x1xbf16, #tpu.memory_space<vmem>>, %arg7: memref<1x1xf32, #tpu.memory_space<vmem>>, %arg8: memref<1x1024x1024xf32, #tpu.memory_space<vmem>>, %arg9: memref<16x32xf32, #tpu.memory_space<vmem>>, %arg10: memref<16x32xi32, #tpu.memory_space<vmem>>, %arg11: memref<16x32xi32, #tpu.memory_space<vmem>>, %arg12: memref<16x1024xf32, #tpu.memory_space<vmem>>, %arg13: memref<4096x16xf32, #tpu.memory_space<vmem>>) attributes {dimension_semantics = [#tpu.dimension_semantics<arbitrary>, #tpu.dimension_semantics<arbitrary>], iteration_bounds = array<i64: 16, 4>, scalar_prefetch = 0 : i64, scratch_operands = 2 : i64, tpu.core_type = #tpu.core_type<tc>, window_params = [{pipeline_mode = #tpu.pipeline_mode<synchronous>, transform_indices = @transform_0, window_bounds = array<i64: 16, 1024>}, {pipeline_mode = #tpu.pipeline_mode<synchronous>, transform_indices = @transform_1, window_bounds = array<i64: 1024, 1024>}, {pipeline_mode = #tpu.pipeline_mode<synchronous>, transform_indices = @transform_2, window_bounds = array<i64: 1024, 1024>}, {pipeline_mode = #tpu.pipeline_mode<synchronous>, transform_indices = @transform_3, window_bounds = array<i64: 1, 1024>}, {pipeline_mode = #tpu.pipeline_mode<synchronous>, transform_indices = @transform_4, window_bounds = array<i64: 1024, 1>}, {pipeline_mode = #tpu.pipeline_mode<synchronous>, transform_indices = @transform_5, window_bounds = array<i64: 1, 1>}, {transform_indices = @transform_6, window_bounds = array<i64: 1, 1024, 1024>}, {pipeline_mode = #tpu.pipeline_mode<synchronous>, transform_indices = @transform_7, window_bounds = array<i64: 16, 32>}, {pipeline_mode = #tpu.pipeline_mode<synchronous>, transform_indices = @transform_8, window_bounds = array<i64: 16, 32>}, {pipeline_mode = #tpu.pipeline_mode<synchronous>, transform_indices = @transform_9, window_bounds = array<i64: 16, 32>}]} {
    %eq3A = arith.constant 0 : i32
    %eq3A_0 = arith.cmpi eq, %arg0, %eq3A : i32
    %eq3A_1 = arith.constant 0 : i32
    %eq3A_2 = arith.cmpi eq, %arg1, %eq3A_1 : i32
    %and3A = arith.andi %eq3A_0, %eq3A_2 : i1
    %convert_element_type3A = arith.extui %and3A : i1 to i32
    %cond3A = arith.constant 0 : i32
    %cond3A_3 = arith.cmpi ne, %convert_element_type3A, %cond3A : i32
    scf.if %cond3A_3 {
      %get3A_103 = arith.constant 0 : index
      %get3A_104 = arith.constant 0 : index
      %get3A_105 = vector.load %arg2[%get3A_103, %get3A_104] : memref<16x1024xbf16, #tpu.memory_space<vmem>>, vector<16x1024xbf16>
      %get3A_106 = arith.constant 0 : index
      %get3A_107 = arith.constant 0 : index
      %get3A_108 = vector.load %arg3[%get3A_106, %get3A_107] : memref<1024x1024xbf16, #tpu.memory_space<vmem>>, vector<1024x1024xbf16>
      %dot_general3A_109 = arith.constant dense<0.000000e+00> : vector<16x1024xf32>
      %dot_general3A_110 = tpu.matmul %get3A_105, %get3A_108, %dot_general3A_109 {dimension_numbers = #tpu.dot_dimension_numbers<[1], [0], [0], [1], [0, 0, 1, 1], [], []>, transpose_lhs_hint = false} : vector<16x1024xbf16>, vector<1024x1024xbf16>, vector<16x1024xf32> -> vector<16x1024xf32>
      %get3A_111 = arith.constant 0 : index
      %get3A_112 = arith.constant 0 : index
      %get3A_113 = vector.load %arg5[%get3A_111, %get3A_112] : memref<1x1024xf32, #tpu.memory_space<vmem>>, vector<1x1024xf32>
      %add3A_114 = vector.broadcast %get3A_113 : vector<1x1024xf32> to vector<16x1024xf32>
      %add3A_115 = arith.addf %dot_general3A_110, %add3A_114 : vector<16x1024xf32>
      %swap3A_116 = arith.constant 0 : index
      %swap3A_117 = arith.constant 0 : index
      %swap3A_118 = vector.load %arg12[%swap3A_116, %swap3A_117] : memref<16x1024xf32, #tpu.memory_space<vmem>>, vector<16x1024xf32>
      tpu.vector_store %arg12[%swap3A_116, %swap3A_117], %add3A_115 {strides = array<i32>} : memref<16x1024xf32, #tpu.memory_space<vmem>>, vector<16x1024xf32>,
    } else {
    }
    %get3A = arith.constant 0 : index
    %get3A_4 = arith.constant 0 : index
    %get3A_5 = arith.constant 0 : index
    %get3A_6 = vector.load %arg8[%get3A, %get3A_4, %get3A_5] : memref<1x1024x1024xf32, #tpu.memory_space<vmem>>, vector<1x1024x1024xf32>
    %get3A_7 = vector.shape_cast %get3A_6 : vector<1x1024x1024xf32> to vector<1024x1024xf32>
    %convert_element_type3A_8 = arith.truncf %get3A_7 : vector<1024x1024xf32> to vector<1024x1024xbf16>
    %get3A_9 = arith.index_cast %arg0 : i32 to index
    %get3A_10 = arith.constant 0 : index
    %get3A_11 = vector.load %arg12[%get3A_9, %get3A_10] : memref<16x1024xf32, #tpu.memory_space<vmem>>, vector<1x1024xf32>
    %slice3A = vector.extract_strided_slice %convert_element_type3A_8 {offsets = [0, 0], sizes = [512, 1024], strides = [1, 1]} : vector<1024x1024xbf16> to vector<512x1024xbf16>
    %get3A_12 = arith.constant 0 : index
    %get3A_13 = arith.constant 0 : index
    %get3A_14 = vector.load %arg4[%get3A_12, %get3A_13] : memref<1024x1024xbf16, #tpu.memory_space<vmem>>, vector<1024x1024xbf16>
    %dot_general3A = arith.constant dense<0.000000e+00> : vector<512x1024xf32>
    %dot_general3A_15 = tpu.matmul %slice3A, %get3A_14, %dot_general3A {dimension_numbers = #tpu.dot_dimension_numbers<[1], [0], [0], [1], [0, 0, 1, 1], [], []>, transpose_lhs_hint = false} : vector<512x1024xbf16>, vector<1024x1024xbf16>, vector<512x1024xf32> -> vector<512x1024xf32>
    %add3A = vector.broadcast %get3A_11 : vector<1x1024xf32> to vector<512x1024xf32>
    %add3A_16 = arith.addf %dot_general3A_15, %add3A : vector<512x1024xf32>
    %mul3A = arith.constant 5.000000e-01 : f32
    %mul3A_17 = vector.broadcast %mul3A : f32 to vector<512x1024xf32>
    %mul3A_18 = arith.mulf %mul3A_17, %add3A_16 : vector<512x1024xf32>
    %mul3A_19 = arith.constant 0.707106769 : f32
    %mul3A_20 = vector.broadcast %mul3A_19 : f32 to vector<512x1024xf32>
    %mul3A_21 = arith.mulf %add3A_16, %mul3A_20 : vector<512x1024xf32>
    %erf3A = math.erf %mul3A_21 : vector<512x1024xf32>
    %add3A_22 = arith.constant 1.000000e+00 : f32
    %add3A_23 = vector.broadcast %add3A_22 : f32 to vector<512x1024xf32>
    %add3A_24 = arith.addf %add3A_23, %erf3A : vector<512x1024xf32>
    %mul3A_25 = arith.mulf %mul3A_18, %add3A_24 : vector<512x1024xf32>
    %convert_element_type3A_26 = arith.truncf %mul3A_25 : vector<512x1024xf32> to vector<512x1024xbf16>
    %get3A_27 = arith.constant 0 : index
    %get3A_28 = arith.constant 0 : index
    %get3A_29 = vector.load %arg6[%get3A_27, %get3A_28] : memref<1024x1xbf16, #tpu.memory_space<vmem>>, vector<1024x1xbf16>
    %dot_general3A_30 = arith.constant dense<0.000000e+00> : vector<512x1xf32>
    %dot_general3A_31 = tpu.matmul %convert_element_type3A_26, %get3A_29, %dot_general3A_30 {dimension_numbers = #tpu.dot_dimension_numbers<[1], [0], [0], [1], [0, 0, 1, 1], [], []>, transpose_lhs_hint = false} : vector<512x1024xbf16>, vector<1024x1xbf16>, vector<512x1xf32> -> vector<512x1xf32>
    %mul3A_32 = arith.constant 1024 : i32
    %mul3A_33 = arith.muli %arg1, %mul3A_32 : i32
    %add3A_34 = arith.constant 0 : i32
    %add3A_35 = arith.addi %mul3A_33, %add3A_34 : i32
    %iota3A = tpu.iota {dimensions = array<i32: 1>} : vector<512x16xi32>
    %get3A_36 = arith.constant 0 : index
    %get3A_37 = arith.constant 0 : index
    %get3A_38 = vector.load %arg7[%get3A_36, %get3A_37] : memref<1x1xf32, #tpu.memory_space<vmem>>, vector<1x1xf32>
    %add3A_39 = vector.broadcast %get3A_38 : vector<1x1xf32> to vector<512x1xf32>
    %add3A_40 = arith.addf %dot_general3A_31, %add3A_39 : vector<512x1xf32>
    %broadcast_in_dim3A = vector.shape_cast %add3A_40 : vector<512x1xf32> to vector<512x1xf32>
    %broadcast_in_dim3A_41 = vector.broadcast %broadcast_in_dim3A : vector<512x1xf32> to vector<512x16xf32>
    %eq3A_42 = vector.broadcast %arg0 : i32 to vector<512x16xi32>
    %eq3A_43 = arith.cmpi eq, %iota3A, %eq3A_42 : vector<512x16xi32>
    %get3A_44 = arith.index_cast %add3A_35 : i32 to index
    %get3A_45 = arith.constant 0 : index
    %get3A_46 = vector.load %arg13[%get3A_44, %get3A_45] : memref<4096x16xf32, #tpu.memory_space<vmem>>, vector<512x16xf32>
    %select_n3A = arith.select %eq3A_43, %broadcast_in_dim3A_41, %get3A_46 : vector<512x16xi1>, vector<512x16xf32>
    %swap3A = arith.index_cast %add3A_35 : i32 to index
    %swap3A_47 = arith.constant 0 : index
    %swap3A_48 = vector.load %arg13[%swap3A, %swap3A_47] : memref<4096x16xf32, #tpu.memory_space<vmem>>, vector<512x16xf32>
    tpu.vector_store %arg13[%swap3A, %swap3A_47], %select_n3A {strides = array<i32>} : memref<4096x16xf32, #tpu.memory_space<vmem>>, vector<512x16xf32>,
    %slice3A_49 = vector.extract_strided_slice %convert_element_type3A_8 {offsets = [512, 0], sizes = [512, 1024], strides = [1, 1]} : vector<1024x1024xbf16> to vector<512x1024xbf16>
    %get3A_50 = arith.constant 0 : index
    %get3A_51 = arith.constant 0 : index
    %get3A_52 = vector.load %arg4[%get3A_50, %get3A_51] : memref<1024x1024xbf16, #tpu.memory_space<vmem>>, vector<1024x1024xbf16>
    %dot_general3A_53 = arith.constant dense<0.000000e+00> : vector<512x1024xf32>
    %dot_general3A_54 = tpu.matmul %slice3A_49, %get3A_52, %dot_general3A_53 {dimension_numbers = #tpu.dot_dimension_numbers<[1], [0], [0], [1], [0, 0, 1, 1], [], []>, transpose_lhs_hint = false} : vector<512x1024xbf16>, vector<1024x1024xbf16>, vector<512x1024xf32> -> vector<512x1024xf32>
    %add3A_55 = vector.broadcast %get3A_11 : vector<1x1024xf32> to vector<512x1024xf32>
    %add3A_56 = arith.addf %dot_general3A_54, %add3A_55 : vector<512x1024xf32>
    %mul3A_57 = arith.constant 5.000000e-01 : f32
    %mul3A_58 = vector.broadcast %mul3A_57 : f32 to vector<512x1024xf32>
    %mul3A_59 = arith.mulf %mul3A_58, %add3A_56 : vector<512x1024xf32>
    %mul3A_60 = arith.constant 0.707106769 : f32
    %mul3A_61 = vector.broadcast %mul3A_60 : f32 to vector<512x1024xf32>
    %mul3A_62 = arith.mulf %add3A_56, %mul3A_61 : vector<512x1024xf32>
    %erf3A_63 = math.erf %mul3A_62 : vector<512x1024xf32>
    %add3A_64 = arith.constant 1.000000e+00 : f32
    %add3A_65 = vector.broadcast %add3A_64 : f32 to vector<512x1024xf32>
    %add3A_66 = arith.addf %add3A_65, %erf3A_63 : vector<512x1024xf32>
    %mul3A_67 = arith.mulf %mul3A_59, %add3A_66 : vector<512x1024xf32>
    %convert_element_type3A_68 = arith.truncf %mul3A_67 : vector<512x1024xf32> to vector<512x1024xbf16>
    %get3A_69 = arith.constant 0 : index
    %get3A_70 = arith.constant 0 : index
    %get3A_71 = vector.load %arg6[%get3A_69, %get3A_70] : memref<1024x1xbf16, #tpu.memory_space<vmem>>, vector<1024x1xbf16>
    %dot_general3A_72 = arith.constant dense<0.000000e+00> : vector<512x1xf32>
    %dot_general3A_73 = tpu.matmul %convert_element_type3A_68, %get3A_71, %dot_general3A_72 {dimension_numbers = #tpu.dot_dimension_numbers<[1], [0], [0], [1], [0, 0, 1, 1], [], []>, transpose_lhs_hint = false} : vector<512x1024xbf16>, vector<1024x1xbf16>, vector<512x1xf32> -> vector<512x1xf32>
    %mul3A_74 = arith.constant 1024 : i32
    %mul3A_75 = arith.muli %arg1, %mul3A_74 : i32
    %add3A_76 = arith.constant 512 : i32
    %add3A_77 = arith.addi %mul3A_75, %add3A_76 : i32
    %iota3A_78 = tpu.iota {dimensions = array<i32: 1>} : vector<512x16xi32>
    %get3A_79 = arith.constant 0 : index
    %get3A_80 = arith.constant 0 : index
    %get3A_81 = vector.load %arg7[%get3A_79, %get3A_80] : memref<1x1xf32, #tpu.memory_space<vmem>>, vector<1x1xf32>
    %add3A_82 = vector.broadcast %get3A_81 : vector<1x1xf32> to vector<512x1xf32>
    %add3A_83 = arith.addf %dot_general3A_73, %add3A_82 : vector<512x1xf32>
    %broadcast_in_dim3A_84 = vector.shape_cast %add3A_83 : vector<512x1xf32> to vector<512x1xf32>
    %broadcast_in_dim3A_85 = vector.broadcast %broadcast_in_dim3A_84 : vector<512x1xf32> to vector<512x16xf32>
    %eq3A_86 = vector.broadcast %arg0 : i32 to vector<512x16xi32>
    %eq3A_87 = arith.cmpi eq, %iota3A_78, %eq3A_86 : vector<512x16xi32>
    %get3A_88 = arith.index_cast %add3A_77 : i32 to index
    %get3A_89 = arith.constant 0 : index
    %get3A_90 = vector.load %arg13[%get3A_88, %get3A_89] : memref<4096x16xf32, #tpu.memory_space<vmem>>, vector<512x16xf32>
    %select_n3A_91 = arith.select %eq3A_87, %broadcast_in_dim3A_85, %get3A_90 : vector<512x16xi1>, vector<512x16xf32>
    %swap3A_92 = arith.index_cast %add3A_77 : i32 to index
    %swap3A_93 = arith.constant 0 : index
    %swap3A_94 = vector.load %arg13[%swap3A_92, %swap3A_93] : memref<4096x16xf32, #tpu.memory_space<vmem>>, vector<512x16xf32>
    tpu.vector_store %arg13[%swap3A_92, %swap3A_93], %select_n3A_91 {strides = array<i32>} : memref<4096x16xf32, #tpu.memory_space<vmem>>, vector<512x16xf32>,
    %eq3A_95 = arith.constant 15 : i32
    %eq3A_96 = arith.cmpi eq, %arg0, %eq3A_95 : i32
    %eq3A_97 = arith.constant 3 : i32
    %eq3A_98 = arith.cmpi eq, %arg1, %eq3A_97 : i32
    %and3A_99 = arith.andi %eq3A_96, %eq3A_98 : i1
    %convert_element_type3A_100 = arith.extui %and3A_99 : i1 to i32
    %cond3A_101 = arith.constant 0 : i32
    %cond3A_102 = arith.cmpi ne, %convert_element_type3A_100, %cond3A_101 : i32
    scf.if %cond3A_102 {
      %iota3A_103 = tpu.iota {dimensions = array<i32: 1>} : vector<16x4096xi32>
      %iota3A_104 = tpu.iota {dimensions = array<i32: 1>} : vector<16x32xi32>
      %get3A_105 = arith.constant 0 : index
      %get3A_106 = arith.constant 0 : index
      %get3A_107 = vector.load %arg13[%get3A_105, %get3A_106] : memref<4096x16xf32, #tpu.memory_space<vmem>>, vector<4096x16xf32>
      %transpose3A = tpu.transpose %get3A_107, [1, 0] : vector<4096x16xf32> -> vector<16x4096xf32>
      %broadcast_in_dim3A_108 = arith.constant 0.000000e+00 : f32
      %broadcast_in_dim3A_109 = vector.broadcast %broadcast_in_dim3A_108 : f32 to vector<16x32xf32>
      %broadcast_in_dim3A_110 = arith.constant 0 : i32
      %broadcast_in_dim3A_111 = vector.broadcast %broadcast_in_dim3A_110 : i32 to vector<16x32xi32>
      %scan3A = arith.constant 0 : i32
      %scan3A_112 = arith.constant 32 : i32
      %scan3A_113 = arith.addi %scan3A, %scan3A_112 : i32
      %scan3A_114 = arith.constant 1 : i32
      %scan3A_115:3 = scf.for %scan3A_131 = %scan3A to %scan3A_113 step %scan3A_114 iter_args(%scan3A_132 = %transpose3A, %scan3A_133 = %broadcast_in_dim3A_109, %scan3A_134 = %broadcast_in_dim3A_111) -> (vector<16x4096xf32>, vector<16x32xf32>, vector<16x32xi32>)  : i32 {
        %reduce_max3A = arith.constant dense<0xFF800000> : vector<16xf32>
        %reduce_max3A_135 = vector.multi_reduction <maximumf>, %scan3A_132, %reduce_max3A [1] : vector<16x4096xf32> to vector<16xf32>
        %broadcast_in_dim3A_136 = vector.shape_cast %reduce_max3A_135 : vector<16xf32> to vector<16x1xf32>
        %eq3A_137 = vector.broadcast %broadcast_in_dim3A_136 : vector<16x1xf32> to vector<16x4096xf32>
        %eq3A_138 = arith.cmpf oeq, %scan3A_132, %eq3A_137 : vector<16x4096xf32>
        %jit3A = arith.constant 4096 : i32
        %broadcast_in_dim3A_139 = vector.broadcast %jit3A : i32 to vector<16x4096xi32>
        %select_n3A_140 = arith.select %eq3A_138, %iota3A_103, %broadcast_in_dim3A_139 : vector<16x4096xi1>, vector<16x4096xi32>
        %reduce_min3A = arith.constant dense<2147483647> : vector<16xi32>
        %reduce_min3A_141 = vector.multi_reduction <minsi>, %select_n3A_140, %reduce_min3A [1] : vector<16x4096xi32> to vector<16xi32>
        %broadcast_in_dim3A_142 = vector.shape_cast %reduce_min3A_141 : vector<16xi32> to vector<16x1xi32>
        %eq3A_143 = vector.broadcast %scan3A_131 : i32 to vector<16x32xi32>
        %eq3A_144 = arith.cmpi eq, %iota3A_104, %eq3A_143 : vector<16x32xi32>
        %broadcast_in_dim3A_145 = vector.shape_cast %broadcast_in_dim3A_136 : vector<16x1xf32> to vector<16x1xf32>
        %broadcast_in_dim3A_146 = vector.broadcast %broadcast_in_dim3A_145 : vector<16x1xf32> to vector<16x32xf32>
        %select_n3A_147 = arith.select %eq3A_144, %broadcast_in_dim3A_146, %scan3A_133 : vector<16x32xi1>, vector<16x32xf32>
        %eq3A_148 = vector.broadcast %scan3A_131 : i32 to vector<16x32xi32>
        %eq3A_149 = arith.cmpi eq, %iota3A_104, %eq3A_148 : vector<16x32xi32>
        %broadcast_in_dim3A_150 = vector.shape_cast %broadcast_in_dim3A_142 : vector<16x1xi32> to vector<16x1xi32>
        %broadcast_in_dim3A_151 = vector.broadcast %broadcast_in_dim3A_150 : vector<16x1xi32> to vector<16x32xi32>
        %select_n3A_152 = arith.select %eq3A_149, %broadcast_in_dim3A_151, %scan3A_134 : vector<16x32xi1>, vector<16x32xi32>
        %eq3A_153 = vector.broadcast %broadcast_in_dim3A_142 : vector<16x1xi32> to vector<16x4096xi32>
        %eq3A_154 = arith.cmpi eq, %iota3A_103, %eq3A_153 : vector<16x4096xi32>
        %jit3A_155 = arith.constant 0xFF800000 : f32
        %broadcast_in_dim3A_156 = vector.broadcast %jit3A_155 : f32 to vector<16x4096xf32>
        %select_n3A_157 = arith.select %eq3A_154, %broadcast_in_dim3A_156, %scan3A_132 : vector<16x4096xi1>, vector<16x4096xf32>
        scf.yield %select_n3A_157, %select_n3A_147, %select_n3A_152 : vector<16x4096xf32>, vector<16x32xf32>, vector<16x32xi32>
      }
      %scan3A_116 = arith.constant 32 : i32
      %swap3A_117 = arith.constant 0 : index
      %swap3A_118 = arith.constant 0 : index
      %swap3A_119 = vector.load %arg9[%swap3A_117, %swap3A_118] : memref<16x32xf32, #tpu.memory_space<vmem>>, vector<16x32xf32>
      tpu.vector_store %arg9[%swap3A_117, %swap3A_118], %scan3A_115#1 {strides = array<i32>} : memref<16x32xf32, #tpu.memory_space<vmem>>, vector<16x32xf32>,
      %swap3A_120 = arith.constant 0 : index
      %swap3A_121 = arith.constant 0 : index
      %swap3A_122 = vector.load %arg10[%swap3A_120, %swap3A_121] : memref<16x32xi32, #tpu.memory_space<vmem>>, vector<16x32xi32>
      tpu.vector_store %arg10[%swap3A_120, %swap3A_121], %scan3A_115#2 {strides = array<i32>} : memref<16x32xi32, #tpu.memory_space<vmem>>, vector<16x32xi32>,
      %iota3A_123 = tpu.iota {dimensions = array<i32: 0>} : vector<16x32xi32>
      %mul3A_124 = arith.constant 4096 : i32
      %mul3A_125 = vector.broadcast %mul3A_124 : i32 to vector<16x32xi32>
      %mul3A_126 = arith.muli %iota3A_123, %mul3A_125 : vector<16x32xi32>
      %add3A_127 = arith.addi %scan3A_115#2, %mul3A_126 : vector<16x32xi32>
      %swap3A_128 = arith.constant 0 : index
      %swap3A_129 = arith.constant 0 : index
      %swap3A_130 = vector.load %arg11[%swap3A_128, %swap3A_129] : memref<16x32xi32, #tpu.memory_space<vmem>>, vector<16x32xi32>
      tpu.vector_store %arg11[%swap3A_128, %swap3A_129], %add3A_127 {strides = array<i32>} : memref<16x32xi32, #tpu.memory_space<vmem>>, vector<16x32xi32>,
    } else {
    }
    return
  }
  func.func @transform_0(%arg0: i32, %arg1: i32) -> (i32, i32) {
    %c0_i32 = arith.constant 0 : i32
    %c0_i32_0 = arith.constant 0 : i32
    %c0_i32_1 = arith.constant 0 : i32
    return %c0_i32, %c0_i32_0 : i32, i32
  }
  func.func @transform_1(%arg0: i32, %arg1: i32) -> (i32, i32) {
    %c0_i32 = arith.constant 0 : i32
    %c0_i32_0 = arith.constant 0 : i32
    %c0_i32_1 = arith.constant 0 : i32
    return %c0_i32, %c0_i32_0 : i32, i32
  }
  func.func @transform_2(%arg0: i32, %arg1: i32) -> (i32, i32) {
    %c0_i32 = arith.constant 0 : i32
    %c0_i32_0 = arith.constant 0 : i32
    %c0_i32_1 = arith.constant 0 : i32
    return %c0_i32, %c0_i32_0 : i32, i32
  }
  func.func @transform_3(%arg0: i32, %arg1: i32) -> (i32, i32) {
    %c0_i32 = arith.constant 0 : i32
    %c0_i32_0 = arith.constant 0 : i32
    %c0_i32_1 = arith.constant 0 : i32
    return %c0_i32, %c0_i32_0 : i32, i32
  }
  func.func @transform_4(%arg0: i32, %arg1: i32) -> (i32, i32) {
    %c0_i32 = arith.constant 0 : i32
    %c0_i32_0 = arith.constant 0 : i32
    %c0_i32_1 = arith.constant 0 : i32
    return %c0_i32, %c0_i32_0 : i32, i32
  }
  func.func @transform_5(%arg0: i32, %arg1: i32) -> (i32, i32) {
    %c0_i32 = arith.constant 0 : i32
    %c0_i32_0 = arith.constant 0 : i32
    %c0_i32_1 = arith.constant 0 : i32
    return %c0_i32, %c0_i32_0 : i32, i32
  }
  func.func @transform_6(%arg0: i32, %arg1: i32) -> (i32, i32, i32) {
    %c0_i32 = arith.constant 0 : i32
    %c0_i32_0 = arith.constant 0 : i32
    return %arg0, %arg1, %c0_i32 : i32, i32, i32
  }
  func.func @transform_7(%arg0: i32, %arg1: i32) -> (i32, i32) {
    %c0_i32 = arith.constant 0 : i32
    %c0_i32_0 = arith.constant 0 : i32
    %c0_i32_1 = arith.constant 0 : i32
    return %c0_i32, %c0_i32_0 : i32, i32
  }
  func.func @transform_8(%arg0: i32, %arg1: i32) -> (i32, i32) {
    %c0_i32 = arith.constant 0 : i32
    %c0_i32_0 = arith.constant 0 : i32
    %c0_i32_1 = arith.constant 0 : i32
    return %c0_i32, %c0_i32_0 : i32, i32
  }
  func.func @transform_9(%arg0: i32, %arg1: i32) -> (i32, i32) {
    %c0_i32 = arith.constant 0 : i32
    %c0_i32_0 = arith.constant 0 : i32
    %c0_i32_1 = arith.constant 0 : i32
    return %c0_i32, %c0_i32_0 : i32, i32
  }
}

</mosaic_0001>

<sc_bundles>
// kernel: kernel.4.cloned.1.call-start
scs
__scs_entry_jumppad:
0x0: {  	(pc) =	sbr.rel $0x88, $3  }
0x1: {  	(tag) =	ssettag $0x0;
	lr =	simm.s32 $0x1  }
0x2: {  	[smem:$0x3F9B] =	sst lr;
	_ =	strace $0xD0000000  }
0x3: {  	_ = 	snop  }
0x4: {  	_ = 	snop  }
0x5: {  	_ = 	snop  }
0x6: {  	_ = 	snop  }
0x7: {  	_ = 	snop  }
__scs_overlays_trampoline_lowered:
0x8: {  	[smem:$0x3FAA] =	sst s0  }
0x9: {  	[smem:$0x3FAB] =	sst s1  }
0xa: {  	[smem:$0x3FAC] =	sst s2  }
0xb: {  	[smem:$0x3FAD] =	sst s3  }
0xc: {  	[smem:$0x3FAE] =	sst s4  }
0xd: {  	[smem:$0x3FAF] =	sst s5  }
0xe: {  	[smem:$0x3FB0] =	sst s6  }
0xf: {  	[smem:$0x3FB1] =	sst s7  }
0x10: {  	[smem:$0x3FB2] =	sst s8  }
0x11: {  	[smem:$0x3FB3] =	sst s9;
	s0 =	simm.s32 @!p0 $0x0  }
0x12: {  	s1 =	sld [smem:$0x3F99];
	s0 =	simm.s32 @p0 $0x1  }
0x13: {  	[smem:$0x3FB4] =	sst s0;
	s0 =	simm.s32 @!p1 $0x0  }
0x14: {  	s2 =	sld [smem:$0x3F98];
	s0 =	simm.s32 @p1 $0x1  }
0x15: {  	[smem:$0x3FB5] =	sst s0;
	s0 =	simm.s32 @!p2 $0x0  }
0x16: {  	s3 =	sld [smem:$0x3FDB];
	s0 =	simm.s32 @p2 $0x1  }
0x17: {  	s4 =	simm.s32 $0x1BF5;
	[smem:$0x3FB7] =	sst s0  }
0x18: {  	s0 =	sld [smem:$0x3F9A];
	_ =	swait.ge [sflag:s4], $0x0  }
0x19: {  	s7 =	sld [smem:$0x3F9B]  }
0x1a: {  	s8 =	sadd.s32 $0xFFFFE003, lr  }
0x1b: {  	s9 =	sadd.s32 $0xFFFFFEF7, lr;
	s5 =	simm.s32 $0xFFFFFFFF;
	p2 =	slt.u32 s8, $0xFFFFF086  }
0x1c: {  	p1 =	slt.u32 s9, $0xF7A;
	s5 =	simm.s32 @!p2 $0x0  }
0x1d: {  	s5 =	simm.s32 @p1 $0x1;
	p0 =	seq.s32 s7, s2  }
0x1e: {  	s7 =	smul.u32 @!p0 $0xF7A, s2;
	p2 =	seq.s32 @!p0 s5, $0x0  }
0x1f: {  	s9 =	smul.u32 $0xF7A, s1;
	s8 =	simm.s32 @!p0 $0x1BF5;
	p2 =	por !p2, p0  }
0x20: {  	[sflag:s8] =	ssyncset.s32 @!p0 $0xFFFFF086;
	s6 =	sadd.s32 @!p0 s3, s7;
	s7 =	simm.s32 @!p0 $0x108  }
0x21: {  	s3 =	sadd.s32 s3, s9;
	s6 =	sadd.s32 @!p0 $0x88, s6;
	s7 =	simm.s32 @p2 $0x1082  }
0x22: {  	[simem:s7], [sflag:s8] =	dma.local @!p0 [hbm:s6], $0xF7A  }
0x23: {  	s9 =	sor.u32 $0xD0000000, s2;
	s6 =	simm.s32 $0x108;
	_ =	swait.ge @!p0 [sflag:s8], $0x0  }
0x24: {  	s3 =	sadd.s32 $0x88, s3;
	s6 =	simm.s32 @!p1 $0x1082;
	[sflag:s4] =	ssyncset.s32 $0xFFFFF086  }
0x25: {  	[simem:s6], [sflag:s4] =	dma.local [hbm:s3], $0xF7A  }
0x26: {  	[smem:$0x3F9B] =	sst s1;
	(tag) =	ssettag s2;
	_ =	strace s9  }
0x27: {  	s1 =	sld [smem:$0x3FAB]  }
0x28: {  	s2 =	sld [smem:$0x3FAC]  }
0x29: {  	s4 =	sld [smem:$0x3FAE]  }
0x2a: {  	p0 =	seq.s32 s5, $0x0;
	s5 =	sld [smem:$0x3FAF]  }
0x2b: {  	s6 =	sld [smem:$0x3FB0]  }
0x2c: {  	s7 =	sld [smem:$0x3FB1]  }
0x2d: {  	s3 =	simm.s32 $0x108;
	s8 =	sld [smem:$0x3FB2]  }
0x2e: {  	s3 =	simm.s32 @!p0 $0x1082;
	s9 =	sld [smem:$0x3FB3]  }
0x2f: {  	lr =	sadd.s32 s0, s3;
	s0 =	sld [smem:$0x3FAA]  }
0x30: {  	s3 =	sld [smem:$0x3FAD]  }
0x31: {  	[smem:$0x3FB6] =	sst s10  }
0x32: {  	s10 =	sld [smem:$0x3FB4];
	_ =	sdelay $0x3  }
0x33: {  	p0 =	seq.s32 s10, $0x1;
	s10 =	sld [smem:$0x3FB6];
	_ =	sdelay $0x3  }
0x34: {  	[smem:$0x3FB6] =	sst s10  }
0x35: {  	s10 =	sld [smem:$0x3FB5];
	_ =	sdelay $0x3  }
0x36: {  	p1 =	seq.s32 s10, $0x1;
	s10 =	sld [smem:$0x3FB6];
	_ =	sdelay $0x3  }
0x37: {  	[smem:$0x3FB6] =	sst s10  }
0x38: {  	s10 =	sld [smem:$0x3FB7]  }
0x39: {  	_ = 	snop;
	(pc) =	sbr.ind lr, $3  }
0x3a: {  	_ = 	snop  }
0x3b: {  	_ = 	snop  }
0x3c: {  	p2 =	seq.s32 s10, $0x1;
	s10 =	sld [smem:$0x3FB6]  }
0x3d: {  	_ =	shalt  }
0x3e: {  	_ =	shalt  }
0x3f: {  	_ =	shalt  }
0x40: {  	_ =	shalt  }
0x41: {  	_ =	shalt  }
0x42: {  	_ =	shalt  }
0x43: {  	_ =	shalt  }
0x44: {  	_ =	shalt  }
0x45: {  	_ =	shalt  }
0x46: {  	_ =	shalt  }
0x47: {  	_ =	shalt  }
0x48: {  	_ =	shalt  }
0x49: {  	_ =	shalt  }
0x4a: {  	_ =	shalt  }
0x4b: {  	_ =	shalt  }
0x4c: {  	_ =	shalt  }
0x4d: {  	_ =	shalt  }
0x4e: {  	_ =	shalt  }
0x4f: {  	_ =	shalt  }
0x50: {  	_ =	shalt  }
0x51: {  	_ =	shalt  }
0x52: {  	_ =	shalt  }
0x53: {  	_ =	shalt  }
0x54: {  	_ =	shalt  }
0x55: {  	_ =	shalt  }
0x56: {  	_ =	shalt  }
0x57: {  	_ =	shalt  }
0x58: {  	_ =	shalt  }
0x59: {  	_ =	shalt  }
0x5a: {  	_ =	shalt  }
0x5b: {  	_ =	shalt  }
0x5c: {  	_ =	shalt  }
0x5d: {  	_ =	shalt  }
0x5e: {  	_ =	shalt  }
0x5f: {  	_ =	shalt  }
0x60: {  	_ =	shalt  }
0x61: {  	_ =	shalt  }
0x62: {  	_ =	shalt  }
0x63: {  	_ =	shalt  }
0x64: {  	_ =	shalt  }
0x65: {  	_ =	shalt  }
0x66: {  	_ =	shalt  }
0x67: {  	_ =	shalt  }
0x68: {  	_ =	shalt  }
0x69: {  	_ =	shalt  }
0x6a: {  	_ =	shalt  }
0x6b: {  	_ =	shalt  }
0x6c: {  	_ =	shalt  }
0x6d: {  	_ =	shalt  }
0x6e: {  	_ =	shalt  }
0x6f: {  	_ =	shalt  }
0x70: {  	_ =	shalt  }
0x71: {  	_ =	shalt  }
0x72: {  	_ =	shalt  }
0x73: {  	_ =	shalt  }
0x74: {  	_ =	shalt  }
0x75: {  	_ =	shalt  }
0x76: {  	_ =	shalt  }
0x77: {  	_ =	shalt  }
0x78: {  	_ =	shalt  }
0x79: {  	_ =	shalt  }
0x7a: {  	_ =	shalt  }
0x7b: {  	_ =	shalt  }
0x7c: {  	_ =	shalt  }
0x7d: {  	_ =	shalt  }
0x7e: {  	_ =	shalt  }
0x7f: {  	_ =	shalt  }
0x80: {  	_ =	shalt  }
0x81: {  	_ =	shalt  }
0x82: {  	_ =	shalt  }
0x83: {  	_ =	shalt  }
0x84: {  	_ =	shalt  }
0x85: {  	_ =	shalt  }
0x86: {  	_ =	shalt  }
0x87: {  	_ =	shalt  }
.Lfunc_end0:
.L_simem_size_0:
called_computation_lowered:
.L_overlay_start_0:
0x88: {  	s2 =	sld [smem:$0x3FD9]  }
0x89: {  	s3 =	sld [smem:$0x3FFE];
	_ =	sdelay $0x1  }
0x8a: {  	s1 =	srdreg.scid  }
0x8b: {  	s0 =	sand.u32 $0x1, s1  }
0x8c: {  	s14 =	sshll.u32 s0, $0xA;
	s2 =	sadd.s32 s3, s2  }
0x8d: {  	s2 =	sadd.s32 s2, s14  }
0x8e: {  	[smem:$0x3FC2] =	sst s2  }
0x8f: {  	_ = 	snop  }
0x90: {  	s2 =	sld [smem:$0x3FD0];
	_ =	sdelay $0x2  }
0x91: {  	s4 =	simm.s32 $0xA;
	s5 =	simm.s32 $0x10;
	s15 =	sld [smem:$0x3FC8]  }
0x92: {  	[smem:s5], [sflag:s4] =	dma.local [hbm:s2], $0x1  }
0x93: {  	_ =	swait.eq [sflag:s4], $0x1  }
0x94: {  	[sflag:s4] =	ssyncset.done $0x0  }
0x95: {  	[sflag:s4] =	ssyncadd.s32 $0xFFFFFFFF  }
0x96: {  	s16 =	sld [smem:$0x10];
	(tm) =	ssettm $0x1  }
0x97: {  	s17 =	sld [smem:$0x3FFB];
	_ =	sdelay $0x3  }
0x98: {  	_ =	strace s17  }
0x99: {  	s4 =	sld [smem:$0x3FFC];
	_ =	sdelay $0x3  }
0x9a: {  	_ =	strace s4  }
0x9b: {  	s4 =	sld [smem:$0x3FFD];
	_ =	sdelay $0x3  }
0x9c: {  	_ =	strace s4  }
0x9d: {  	_ =	strace $0x8FFFFFFF  }
0x9e: {  	s18 =	sld [smem:$0x3FDB];
	_ =	sdelay $0x1  }
0x9f: {  	s19 =	simm.s32 $_scs_section_size  }
0xa0: {  	s6 =	simm.s32 $_size__tile_overlayer_lowered;
	s7 =	simm.s32 $_tile_overlayer_lowered  }
0xa1: {  	s22 =	simm.s32 $0x1BFF;
	s21 =	sshll.u32 s7, $0x1;
	s4 =	sadd.s32 s19, s18  }
0xa2: {  	s8 =	simm.s32 $0x0;
	s20 =	sshll.u32 s6, $0x1;
	s6 =	sadd.s32 s21, s4  }
0xa3: {  	[timem:s8], [sflag:s22] =	dma.local [hbm:s6], s20  }
0xa4: {  	_ =	swait.ge [sflag:s22], s20  }
0xa5: {  	s5 =	ssub.s32 $0x0, s20;
	[sflag:s22] =	ssyncset.done $0x0  }
0xa6: {  	[sflag:s22] =	ssyncadd.s32 s5;
	_ =	sdelay $0x1  }
0xa7: {  	s23 =	simm.s32 $0x1B8B  }
0xa8: {  	_ =	swait.ge [sflag:s23], $0x1  }
0xa9: {  	[sflag:s23] =	ssyncset.done $0x0  }
0xaa: {  	s25 =	simm.s32 $0x1B8E;
	s24 =	sld [smem:$0x3FFE];
	[sflag:s23] =	ssyncadd.s32 $0xFFFFFFFF  }
0xab: {  	s26 =	simm.s32 $execute0_lowered;
	[smem:$0x3FD2] =	sst s25  }
0xac: {  	s6 =	sshll.u32 s26, $0x1;
	_ =	strace $0x80000046;
	[dreg:$0x1] =	wrdreg $0xFFFFFFFF  }
0xad: {  	s28 =	simm.s32 $_size_execute0_lowered;
	s4 =	sadd.s32 s4, s6;
	[dreg:$0x0] =	wrdreg $0x0  }
0xae: {  	s6 =	sshll.u32 s28, $0x1;
	[dreg:$0x2] =	wrdreg s4  }
0xaf: {  	[dreg:$0x3] =	wrdreg s6  }
0xb0: {  	[dreg:$0x4] =	wrdreg $0xC0  }
0xb1: {  	_ =	task [dreg:s8], $0x5FFFF  }
0xb2: {  	[dreg:$0x1] =	wrdreg $0xFFFFFFFF  }
0xb3: {  	[dreg:$0x0] =	wrdreg $0x60  }
0xb4: {  	[dreg:$0x2] =	wrdreg s15  }
0xb5: {  	[dreg:$0x3] =	wrdreg s24  }
0xb6: {  	[dreg:$0x4] =	wrdreg s16  }
0xb7: {  	[dreg:$0x5] =	wrdreg $0x9  }
0xb8: {  	_ =	task.clear_ibuf [dreg:s8], $0x6FFFF;
	_ =	strace $0x90000046  }
0xb9: {  	s29 =	simm.s32 $0x9;
	_ =	strace $0x80000048  }
0xba: {  	_ =	swait.ge [sflag:s29], $0x1  }
0xbb: {  	[sflag:s29] =	ssyncadd.s32 $0xFFFFFFFF  }
0xbc: {  	_ =	strace $0x90000048  }
0xbd: {  	_ =	sfence  }
0xbe: {  	s30 =	sld [smem:$0x0];
	_ =	sdelay $0x2  }
0xbf: {  	s31 =	sshll.u32 s1, $0xD;
	s1 =	sshrl.u32 s1, $0x2  }
0xc0: {  	s3 =	sand.u32 $0x4000, s31;
	s1 =	sadd.s32 s1, s30  }
0xc1: {  	s0 =	sor.u32 s3, s0;
	s1 =	sshll.u32 s1, $0x11  }
0xc2: {  	s0 =	sor.u32 s1, s0  }
0xc3: {  	s0 =	sadd.s32 $0x8F2B, s0  }
0xc4: {  	[sflag:s0] =	ssyncadd.remote.s32 $0x1  }
0xc5: {  	_ =	sfence.sel $0xFFFF  }
0xc6: {  	[dreg:$0x0] =	wrdreg $0xFFFFFFFF;
	(pc) =	sbr.abs _section_cstart, $3  }
0xc7: {  	[dreg:$0x1] =	wrdreg $0xFFFFFFFF  }
0xc8: {  	_ =	task.clear_ibuf [dreg:s8], $0x2FFFF;
	_ =	strace $0x9FFFFFFF  }
0xc9: {  	(tm) =	ssettm $0x7FFFFFFF  }
tec
execute0_lowered:
.L_overlay_start_1:
0x0: {  	(tag) =	ssettag $0x1  }
0x1: {  	s2 =	srdreg.scid  }
0x2: {  	s1 =	rddreg [dreg:$0x0];
	s0 =	stileid.u32;
	s16 =	sand.u32 $0x1, s2  }
0x3: {  	s4 =	rddreg [dreg:$0x1];
	s30 =	sshll.u32 s0, $0x5;
	s3 =	sshll.u32 s16, $0x4  }
0x4: {  	s18 =	rddreg [dreg:$0x2];
	s19 =	sor.u32 s3, s30  }
0x5: {  	s2 =	rddreg [dreg:$0x3];
	s3 =	simm.s32 $0x0;
	s5 =	sshrl.u32 s19, $0x3  }
0x6: {  	[smem:$0x7FF] =	sst s3;
	s4 =	sadd.s32 s5, s4  }
0x7: {  	_ =	strace $0x80000047;
	s5 =	sadd.s32 $0xE00, s4;
	s4 =	simm.s32 $0x2  }
0x8: {  	[tilespmem:s3], [sflag:$0x2] =	stream.linear.gather [hbm4b:s5+s3], $0x10, $0x38;
	[tilespmem:$0x4080] =	vst v63  }
0x9: {  	_ =	swait.ge [sflag:s4], $0x10  }
0xa: {  	[sflag:s4] =	ssyncset.done $0x0  }
0xb: {  	[sflag:s4] =	ssyncadd.s32 $0xFFFFFFF0  }
0xc: {  	v0 =	vld [tilespmem:$0x0];
	_ =	sdelay $0x4  }
0xd: {  	v1 =	vshll.u32 v0, $0x3  }
0xe: {  	v2 =	vlaneseq.u32;
	v3 =	vand.u32 $0x7, v0;
	v1 =	vand.u32 $0xFFFFFFC0, v1  }
0xf: {  	v4 =	vshrl.u32 v2, $0x3;
	v0 =	vand.u32 $0x7, v2;
	v3 =	vor.u32 v3, v1  }
0x10: {  	v1 =	vmul.u32 $0x8, v4;
	v63 =	vperm.xlane v3, v0;
	_ =	sdelay $0x1  }
0x11: {  	v4 =	vadd.s32 v1, v63;
	_ =	sdelay $0x3  }
0x12: {  	vm0 =	vmmov $0xffff;
	s6 =	simm.s32 $0x80  }
0x13: {  	v2 =	vor.u32 $0x8, v2;
	[tilespmem:s6], [sflag:$0x1] =	stream.indirect_vreg.gather [hbm4b:s1+s3], $0x80, v4, vm0, $0xb8;
	[tilespmem:$0x4080] =	vst v63  }
0x14: {  	s8 =	simm.s32 $0x880;
	s7 =	sadd.s32 $0x100, s1;
	v3 =	vperm.xlane v3, v2  }
0x15: {  	[tilespmem:s8], [sflag:$0x1] =	stream.indirect_vreg.gather [hbm4b:s7+s3], $0x80, v4, vm0, $0xb8;
	[tilespmem:$0x4080] =	vst v63  }
0x16: {  	s10 =	simm.s32 $0x1080;
	s9 =	sadd.s32 $0x200, s1;
	v3 =	vadd.s32 v1, v3  }
0x17: {  	[tilespmem:s10], [sflag:$0x1] =	stream.indirect_vreg.gather [hbm4b:s9+s3], $0x80, v4, vm0, $0xb8;
	[tilespmem:$0x4080] =	vst v63  }
0x18: {  	s12 =	simm.s32 $0x1880;
	s11 =	sadd.s32 $0x300, s1  }
0x19: {  	[tilespmem:s12], [sflag:$0x1] =	stream.indirect_vreg.gather [hbm4b:s11+s3], $0x80, v4, vm0, $0xb8;
	[tilespmem:$0x4080] =	vst v63  }
0x1a: {  	s13 =	simm.s32 $0x2080;
	s20 =	ssub.s32 $0x2, s16  }
0x1b: {  	[tilespmem:s13], [sflag:$0x1] =	stream.indirect_vreg.gather [hbm4b:s1+s3], $0x80, v3, vm0, $0xb8;
	[tilespmem:$0x4080] =	vst v63  }
0x1c: {  	s14 =	simm.s32 $0x2880;
	s21 =	sshrl.u32 s20, $0x1  }
0x1d: {  	[tilespmem:s14], [sflag:$0x1] =	stream.indirect_vreg.gather [hbm4b:s7+s3], $0x80, v3, vm0, $0xb8;
	[tilespmem:$0x4080] =	vst v63  }
0x1e: {  	s15 =	simm.s32 $0x3080;
	s20 =	ssub.s32 s20, s21  }
0x1f: {  	[tilespmem:s15], [sflag:$0x1] =	stream.indirect_vreg.gather [hbm4b:s9+s3], $0x80, v3, vm0, $0xb8;
	[tilespmem:$0x4080] =	vst v63  }
0x20: {  	s17 =	simm.s32 $0x1;
	s16 =	simm.s32 $0x3880;
	s31 =	smax.u32 s20, $0x1  }
0x21: {  	[tilespmem:s16], [sflag:$0x1] =	stream.indirect_vreg.gather [hbm4b:s11+s3], $0x80, v3, vm0, $0xb8;
	[tilespmem:$0x4080] =	vst v63  }
0x22: {  	p0 =	sne.s32 s31, $0x1;
	_ =	swait.ge [sflag:s17], $0x4000  }
.Ltmp0:
0x23: {  	s19 =	sshll.u32 s19, $0x7;
	[sflag:s17] =	ssyncset.done $0x0;
	(pc) =	sbr.rel @!p0 .LBB2_2-.Ltmp0, $4  }
0x24: {  	s18 =	sadd.s32 s18, s19;
	[sflag:s17] =	ssyncadd.s32 $0xFFFFC000  }
0x25: {  	[hbm4b:s18+s3] =	stream.linear.scatter [tilespmem:s6], [sflag:$0x2], $0x4000, $0x38;
	[tilespmem:$0x4080] =	vst v63  }
0x26: {  	_ =	swait.ge [sflag:s4], $0x4000  }
0x27: {  	s19 =	sadd.s32 $0xFFFFFFFF, s31;
	[sflag:s4] =	ssyncset.done $0x0  }
.LBB2_1:
0x28: {  	p0 =	sne.s32 s19, $0x1;
	s19 =	sadd.s32 $0xFFFFFFFF, s19;
	[sflag:s4] =	ssyncadd.s32 $0xFFFFC000  }
0x29: {  	[tilespmem:s3], [sflag:$0x2] =	stream.linear.gather [hbm4b:s5+s3], $0x10, $0x38;
	[tilespmem:$0x4080] =	vst v63  }
0x2a: {  	_ =	swait.ge [sflag:s4], $0x10  }
0x2b: {  	[sflag:s4] =	ssyncset.done $0x0  }
0x2c: {  	[sflag:s4] =	ssyncadd.s32 $0xFFFFFFF0  }
0x2d: {  	v3 =	vld [tilespmem:$0x0];
	_ =	sdelay $0x4  }
0x2e: {  	v4 =	vshll.u32 v3, $0x3  }
0x2f: {  	v3 =	vand.u32 $0x7, v3;
	v4 =	vand.u32 $0xFFFFFFC0, v4  }
0x30: {  	v3 =	vor.u32 v3, v4  }
0x31: {  	v4 =	vperm.xlane v3, v0;
	v3 =	vperm.xlane v3, v2;
	_ =	sdelay $0x1  }
0x32: {  	v4 =	vadd.s32 v1, v4;
	_ =	sdelay $0x4  }
0x33: {  	[tilespmem:s6], [sflag:$0x1] =	stream.indirect_vreg.gather [hbm4b:s1+s3], $0x80, v4, vm0, $0xb8;
	[tilespmem:$0x4080] =	vst v63  }
0x34: {  	_ = 	snop  }
0x35: {  	[tilespmem:s8], [sflag:$0x1] =	stream.indirect_vreg.gather [hbm4b:s7+s3], $0x80, v4, vm0, $0xb8;
	[tilespmem:$0x4080] =	vst v63  }
0x36: {  	v3 =	vadd.s32 v1, v3  }
0x37: {  	[tilespmem:s10], [sflag:$0x1] =	stream.indirect_vreg.gather [hbm4b:s9+s3], $0x80, v4, vm0, $0xb8;
	[tilespmem:$0x4080] =	vst v63  }
0x38: {  	_ = 	snop  }
0x39: {  	[tilespmem:s12], [sflag:$0x1] =	stream.indirect_vreg.gather [hbm4b:s11+s3], $0x80, v4, vm0, $0xb8;
	[tilespmem:$0x4080] =	vst v63  }
0x3a: {  	_ = 	snop  }
0x3b: {  	[tilespmem:s13], [sflag:$0x1] =	stream.indirect_vreg.gather [hbm4b:s1+s3], $0x80, v3, vm0, $0xb8;
	[tilespmem:$0x4080] =	vst v63  }
0x3c: {  	_ = 	snop  }
0x3d: {  	[tilespmem:s14], [sflag:$0x1] =	stream.indirect_vreg.gather [hbm4b:s7+s3], $0x80, v3, vm0, $0xb8;
	[tilespmem:$0x4080] =	vst v63  }
0x3e: {  	_ = 	snop  }
0x3f: {  	[tilespmem:s15], [sflag:$0x1] =	stream.indirect_vreg.gather [hbm4b:s9+s3], $0x80, v3, vm0, $0xb8;
	[tilespmem:$0x4080] =	vst v63  }
0x40: {  	_ = 	snop  }
0x41: {  	[tilespmem:s16], [sflag:$0x1] =	stream.indirect_vreg.gather [hbm4b:s11+s3], $0x80, v3, vm0, $0xb8;
	[tilespmem:$0x4080] =	vst v63  }
0x42: {  	_ =	swait.ge [sflag:s17], $0x4000  }
.Ltmp1:
0x43: {  	[sflag:s17] =	ssyncset.done $0x0;
	(pc) =	sbr.rel @p0 .LBB2_1-.Ltmp1, $4  }
0x44: {  	[sflag:s17] =	ssyncadd.s32 $0xFFFFC000  }
0x45: {  	[hbm4b:s18+s3] =	stream.linear.scatter [tilespmem:s6], [sflag:$0x2], $0x4000, $0x38;
	[tilespmem:$0x4080] =	vst v63  }
0x46: {  	_ =	swait.ge [sflag:s4], $0x4000  }
0x47: {  	[sflag:s4] =	ssyncset.done $0x0  }
.LBB2_2:
0x48: {  	[sflag:s4] =	ssyncadd.s32 $0xFFFFC000  }
0x49: {  	_ =	sfence.sel $0x180000  }
0x4a: {  	[bflag:$0x0] =	sbarrier.arrive $0xFFFF  }
0x4b: {  	p0 =	sne.s32 s0, $0x0;
	_ =	strace $0x90000047  }
0x4c: {  	s0 =	sadd.s32 @!p0 $0x100000, s2;
	[bflag:$0x2] =	sbarrier.arrive $0xFFFF  }
0x4d: {  	[sflag:s0] =	ssyncadd.tile.s32 @!p0 $0x1;
	_ =	shalt  }
.Lfunc_end2:
_tile_overlayer_lowered:
.L_overlay_start_2:
0x4e: {  	(tag) =	ssettag $0x2  }
0x4f: {  	s0 =	rddreg [dreg:$0x0];
	s2 =	stileid.u32  }
0x50: {  	s1 =	rddreg [dreg:$0x1];
	p0 =	sne.s32 s2, $0x0  }
0x51: {  	s3 =	rddreg [dreg:$0x2];
	[bflag:$0x3] =	sbarrier.arrive $0xFFFF;
	s2 =	simm.s32 @!p0 $0x1C02  }
0x52: {  	[timem:s3], [sflag:s2] =	dma.local @!p0 [hbm:s0], s1  }
0x53: {  	s0 =	simm.s32 @!p0 $0x2  }
0x54: {  	_ =	swait.ge @!p0 [sflag:s0], s1  }
0x55: {  	s1 =	ssub.s32 @!p0 $0x0, s1;
	[sflag:s0] =	ssyncset.done @!p0 $0x0  }
0x56: {  	[sflag:s0] =	ssyncadd.s32 @!p0 s1  }
0x57: {  	[bflag:$0x3] =	sbarrier.arrive $0xFFFF  }
0x58: {  	_ =	shalt  }

</sc_bundles>
